<compile_context>
chip_gen: v7x
topology: tpu7x:2x2x1
jax: 0.10.2.dev20260603
libtpu: 0.0.44.dev20260713+nightly
codegen_flags: <defaults>
</compile_context>

<pallas_src>
import functools

import jax
import jax.numpy as jnp
from jax import lax
from jax.experimental import pallas as pl
from jax.experimental.pallas import tpu as pltpu
from jax.experimental.pallas import tpu_sc as plsc

_EMB = 64
_PATH = 20
_L = 16
_BLK = 128


def _log_f32(x):
    bits = lax.bitcast_convert_type(x, jnp.int32)
    e = (bits >> 23) - 127
    mbits = (bits & 0x007FFFFF) | 0x3F800000
    m = lax.bitcast_convert_type(mbits, jnp.float32)
    big = m > 1.4142135381698608
    m = jnp.where(big, m * 0.5, m)
    ef = e.astype(jnp.float32) + jnp.where(big, 1.0, 0.0)
    t = (m - 1.0) / (m + 1.0)
    t2 = t * t
    poly = 1.0 + t2 * (
        0.3333333432674408
        + t2 * (0.20000000298023224 + t2 * (0.1428571492433548 + t2 * 0.1111111119389534))
    )
    return ef * 0.6931471805599453 + 2.0 * t * poly


def _extract_col(blk, m_vec):
    return [
        plsc.load_gather(blk, [lax.iota(jnp.int32, 16) + 16 * j, m_vec])
        for j in range(_EMB // _L)
    ]


def _sc_body(in_t, node_t, idx_hbm, tgt_hbm, codes_hbm, out_hbm,
             idx_vtmp, codes_v, v_blk, blk1, blk2, row_v,
             sem_s, sem_u, sem_v):
    cid = lax.axis_index("c")
    sid = lax.axis_index("s")

    @pl.when(cid == 0)
    def _():
        st = [
            pltpu.make_async_copy(idx_hbm, idx_vtmp.at[pl.ds(0, _PATH)], sem_s),
            pltpu.make_async_copy(tgt_hbm, idx_vtmp.at[pl.ds(32, 1)], sem_s),
            pltpu.make_async_copy(codes_hbm, codes_v.at[pl.ds(0, _PATH)], sem_s),
        ]
        for cp in st:
            cp.start()
        for cp in st:
            cp.wait()

        lane = lax.iota(jnp.int32, 16)
        iv0 = idx_vtmp[pl.ds(0, _L)]
        iv1 = idx_vtmp[pl.ds(_L, _L)]
        cv0 = codes_v[pl.ds(0, _L)]
        cv1 = codes_v[pl.ds(_L, _L)]
        mine = lane == sid
        i1 = jnp.sum(jnp.where(mine, iv0, 0))
        has2 = sid < (_PATH - _L)
        i2 = jnp.where(has2, jnp.sum(jnp.where(mine, iv1, 0)), 0)
        cd1 = jnp.sum(jnp.where(mine, cv0, 0))
        cd2 = jnp.sum(jnp.where(mine, cv1, 0))
        tgt = jnp.sum(jnp.where(lane == 0, idx_vtmp[pl.ds(32, _L)], 0))

        def fetch(tbl, r, dst, sem):
            base = pl.multiple_of((r // _BLK) * _BLK, _BLK)
            cp = pltpu.make_async_copy(tbl.at[:, pl.ds(base, _BLK)], dst, sem)
            cp.start()
            return cp

        cps = [fetch(in_t, tgt, v_blk, sem_v),
               fetch(node_t, i1, blk1, sem_u)]

        @pl.when(has2)
        def _():
            fetch(node_t, i2, blk2, sem_u).wait()

        for cp in cps:
            cp.wait()

        vch = _extract_col(v_blk, jnp.broadcast_to(tgt & (_BLK - 1), (_L,)))

        def dot(blk, r):
            uch = _extract_col(blk, jnp.broadcast_to(r & (_BLK - 1), (_L,)))
            prod = uch[0] * vch[0]
            for j in range(1, _EMB // _L):
                prod = prod + uch[j] * vch[j]
            return jnp.sum(prod)

        d1 = dot(blk1, i1)
        d2 = dot(blk2, i2)

        zero = jnp.zeros((_L,), jnp.float32)
        dvec = jnp.where(lane == 0, jnp.broadcast_to(d1, (_L,)),
                         jnp.where(lane == 1, jnp.broadcast_to(d2, (_L,)), zero))
        cdvec = jnp.where(lane == 0, jnp.broadcast_to(cd1, (_L,)),
                          jnp.broadcast_to(cd2, (_L,)))
        z = jnp.where(cdvec == 1, dvec, -dvec)

        p = 1.0 / (1.0 + jnp.exp(-z))
        l = _log_f32(p + 1e-9)
        valid = jnp.logical_or(lane == 0, jnp.logical_and(lane == 1, has2))
        row_v[...] = jnp.where(valid, -l, 0.0)
        pltpu.sync_copy(row_v, out_hbm.at[sid])


@functools.cache
def _build_sc_fn():
  return pl.kernel(
    _sc_body,
    out_type=jax.ShapeDtypeStruct((_L, _L), jnp.float32),
    mesh=plsc.VectorSubcoreMesh(
        core_axis_name="c", subcore_axis_name="s", num_cores=1
    ),
    scratch_types=[
        pltpu.VMEM((48,), jnp.int32),
        pltpu.VMEM((32,), jnp.int32),
        pltpu.VMEM((_EMB, _BLK), jnp.float32),
        pltpu.VMEM((_EMB, _BLK), jnp.float32),
        pltpu.VMEM((_EMB, _BLK), jnp.float32),
        pltpu.VMEM((_L,), jnp.float32),
        pltpu.SemaphoreType.DMA,
        pltpu.SemaphoreType.DMA,
        pltpu.SemaphoreType.DMA,
    ],
    compiler_params=pltpu.CompilerParams(needs_layout_passes=False),
  )


@jax.jit
def kernel(in_table, node_table, target_idx, node_ids, codes):
    in_t = jnp.swapaxes(in_table, 0, 1)
    node_t = jnp.swapaxes(node_table, 0, 1)
    out = _build_sc_fn()(
        in_t, node_t,
        node_ids.astype(jnp.int32),
        target_idx.astype(jnp.int32).reshape(1),
        codes.astype(jnp.int32),
    )
    return jnp.sum(out)

# --- scband reference (transcript-rebuilt; emitter-appended) ---
"""Pipeline reference for scband-skip-gram-hs-61753039782774 (READ-ONLY COPY).

The authoritative reference and input builder live on the scoring server;
editing this copy changes nothing except your own understanding.
"""

import jax, jax.numpy as jnp
import numpy as np

VOCAB = 1000000
EMB = 64
NUM_NODES = 999999
PATH_LEN = 20


def setup_inputs(seed: int = 0) -> dict:
    key = jax.random.key(seed)
    k1, k2, k3, k4, k5 = jax.random.split(key, 5)
    in_table = jax.random.normal(k1, (VOCAB, EMB), dtype=jnp.float32) * 0.02
    node_table = jax.random.normal(k2, (NUM_NODES, EMB), dtype=jnp.float32) * 0.02
    target_idx = jax.random.randint(k3, (), 0, VOCAB)
    node_ids = jax.random.randint(k4, (PATH_LEN,), 0, NUM_NODES)
    codes = jax.random.randint(k5, (PATH_LEN,), 0, 2)
    return {
        "in_table": in_table,
        "node_table": node_table,
        "target_idx": target_idx,
        "node_ids": node_ids,
        "codes": codes,
    }


def reference(in_table, node_table, target_idx, node_ids, codes):
    # v = self.in_embed(target_idx)
    v = jnp.take(in_table, target_idx, axis=0)  # [EMB]
    # u = self.node_embed(node_ids)  -- Huffman path internal nodes
    u = jnp.take(node_table, node_ids, axis=0)  # [PATH_LEN, EMB]
    logits = u @ v  # [PATH_LEN]
    sigmoids = jax.nn.sigmoid(logits)
    # p = s if code==1 else 1-s ; loss = -sum(log(p + 1e-9))
    p = jnp.where(codes == 1, sigmoids, 1.0 - sigmoids)
    loss = -jnp.sum(jnp.log(p + 1e-09))
    return loss

if __name__ == "__main__":
    import jax
    _d = setup_inputs()
    print(jax.jit(kernel)(*tuple(_d.values())))

</pallas_src>

<mosaic_0001>
#map = affine_map<(d0, d1) -> (0, 0)>
#map1 = affine_map<(d0, d1) -> (0)>
module attributes {stable_mosaic.version = 14 : i64} {
  func.func @_sc_body(%arg0: i32, %arg1: i32, %arg2: memref<64x1000000xf32, #tpu.memory_space<hbm>>, %arg3: memref<64x999999xf32, #tpu.memory_space<hbm>>, %arg4: memref<20xi32, #tpu.memory_space<hbm>>, %arg5: memref<1xi32, #tpu.memory_space<hbm>>, %arg6: memref<20xi32, #tpu.memory_space<hbm>>, %arg7: memref<16x16xf32, #tpu.memory_space<hbm>>, %arg8: memref<48xi32, #tpu.memory_space<vmem>>, %arg9: memref<32xi32, #tpu.memory_space<vmem>>, %arg10: memref<64x128xf32, #tpu.memory_space<vmem>>, %arg11: memref<64x128xf32, #tpu.memory_space<vmem>>, %arg12: memref<64x128xf32, #tpu.memory_space<vmem>>, %arg13: memref<16xf32, #tpu.memory_space<vmem>>, %arg14: memref<!tpu.dma_semaphore, #tpu.memory_space<semaphore_mem>>, %arg15: memref<!tpu.dma_semaphore, #tpu.memory_space<semaphore_mem>>, %arg16: memref<!tpu.dma_semaphore, #tpu.memory_space<semaphore_mem>>) attributes {dimension_semantics = [#tpu.dimension_semantics<core_parallel>, #tpu.dimension_semantics<subcore_parallel>], iteration_bounds = array<i64: 1, 16>, scalar_prefetch = 0 : i64, scratch_operands = 9 : i64, tpu.core_type = #tpu.core_type<sc_vector_subcore>, window_params = [{transform_indices = #map}, {transform_indices = #map}, {transform_indices = #map1}, {transform_indices = #map1}, {transform_indices = #map1}, {transform_indices = #map}]} {
    %eq3A = arith.constant 0 : i32
    %eq3A_0 = arith.cmpi eq, %arg0, %eq3A : i32
    %convert_element_type3A = arith.extui %eq3A_0 : i1 to i32
    %cond3A = arith.constant 0 : i32
    %cond3A_1 = arith.cmpi ne, %convert_element_type3A, %cond3A : i32
    scf.if %cond3A_1 {
      %dma_start3A = arith.constant 0 : i32
      %dma_start3A_2 = tpu.memref_slice %arg8[%dma_start3A] : memref<48xi32, #tpu.memory_space<vmem>> -> memref<20xi32, #tpu.memory_space<vmem>>
      %dma_start3A_3 = arith.constant 0 : i32
      %dma_start3A_4 = tpu.memref_slice %arg8[%dma_start3A_3] : memref<48xi32, #tpu.memory_space<vmem>> -> memref<20xi32, #tpu.memory_space<vmem>>
      tpu.enqueue_dma source(%arg4 : memref<20xi32, #tpu.memory_space<hbm>>) target(%dma_start3A_4 : memref<20xi32, #tpu.memory_space<vmem>>) target_semaphore(%arg14 : memref<!tpu.dma_semaphore, #tpu.memory_space<semaphore_mem>>)
      %dma_start3A_5 = arith.constant 32 : i32
      %dma_start3A_6 = tpu.memref_slice %arg8[%dma_start3A_5] : memref<48xi32, #tpu.memory_space<vmem>> -> memref<1xi32, #tpu.memory_space<vmem>>
      %dma_start3A_7 = arith.constant 32 : i32
      %dma_start3A_8 = tpu.memref_slice %arg8[%dma_start3A_7] : memref<48xi32, #tpu.memory_space<vmem>> -> memref<1xi32, #tpu.memory_space<vmem>>
      tpu.enqueue_dma source(%arg5 : memref<1xi32, #tpu.memory_space<hbm>>) target(%dma_start3A_8 : memref<1xi32, #tpu.memory_space<vmem>>) target_semaphore(%arg14 : memref<!tpu.dma_semaphore, #tpu.memory_space<semaphore_mem>>)
      %dma_start3A_9 = arith.constant 0 : i32
      %dma_start3A_10 = tpu.memref_slice %arg9[%dma_start3A_9] : memref<32xi32, #tpu.memory_space<vmem>> -> memref<20xi32, #tpu.memory_space<vmem>>
      %dma_start3A_11 = arith.constant 0 : i32
      %dma_start3A_12 = tpu.memref_slice %arg9[%dma_start3A_11] : memref<32xi32, #tpu.memory_space<vmem>> -> memref<20xi32, #tpu.memory_space<vmem>>
      tpu.enqueue_dma source(%arg6 : memref<20xi32, #tpu.memory_space<hbm>>) target(%dma_start3A_12 : memref<20xi32, #tpu.memory_space<vmem>>) target_semaphore(%arg14 : memref<!tpu.dma_semaphore, #tpu.memory_space<semaphore_mem>>)
      %dma_wait3A = arith.constant 0 : i32
      %dma_wait3A_13 = tpu.memref_slice %arg8[%dma_wait3A] : memref<48xi32, #tpu.memory_space<vmem>> -> memref<20xi32, #tpu.memory_space<vmem>>
      %dma_wait3A_14 = arith.constant 0 : i32
      %dma_wait3A_15 = tpu.memref_slice %arg8[%dma_wait3A_14] : memref<48xi32, #tpu.memory_space<vmem>> -> memref<20xi32, #tpu.memory_space<vmem>>
      tpu.wait_dma2 semaphore(%arg14 : memref<!tpu.dma_semaphore, #tpu.memory_space<semaphore_mem>>) src(%arg4 : memref<20xi32, #tpu.memory_space<hbm>>) dst(%dma_wait3A_15 : memref<20xi32, #tpu.memory_space<vmem>>)
      %dma_wait3A_16 = arith.constant 32 : i32
      %dma_wait3A_17 = tpu.memref_slice %arg8[%dma_wait3A_16] : memref<48xi32, #tpu.memory_space<vmem>> -> memref<1xi32, #tpu.memory_space<vmem>>
      %dma_wait3A_18 = arith.constant 32 : i32
      %dma_wait3A_19 = tpu.memref_slice %arg8[%dma_wait3A_18] : memref<48xi32, #tpu.memory_space<vmem>> -> memref<1xi32, #tpu.memory_space<vmem>>
      tpu.wait_dma2 semaphore(%arg14 : memref<!tpu.dma_semaphore, #tpu.memory_space<semaphore_mem>>) src(%arg5 : memref<1xi32, #tpu.memory_space<hbm>>) dst(%dma_wait3A_19 : memref<1xi32, #tpu.memory_space<vmem>>)
      %dma_wait3A_20 = arith.constant 0 : i32
      %dma_wait3A_21 = tpu.memref_slice %arg9[%dma_wait3A_20] : memref<32xi32, #tpu.memory_space<vmem>> -> memref<20xi32, #tpu.memory_space<vmem>>
      %dma_wait3A_22 = arith.constant 0 : i32
      %dma_wait3A_23 = tpu.memref_slice %arg9[%dma_wait3A_22] : memref<32xi32, #tpu.memory_space<vmem>> -> memref<20xi32, #tpu.memory_space<vmem>>
      tpu.wait_dma2 semaphore(%arg14 : memref<!tpu.dma_semaphore, #tpu.memory_space<semaphore_mem>>) src(%arg6 : memref<20xi32, #tpu.memory_space<hbm>>) dst(%dma_wait3A_23 : memref<20xi32, #tpu.memory_space<vmem>>)
      %iota3A = tpu.iota {dimensions = array<i32: 0>} : vector<16xi32>
      %get3A = arith.constant 0 : index
      %get3A_24 = tpu.vector_load %arg8[%get3A] {strides = array<i32>} : memref<48xi32, #tpu.memory_space<vmem>>, vector<16xi32>,
      %get3A_25 = arith.constant 16 : index
      %get3A_26 = tpu.vector_load %arg8[%get3A_25] {strides = array<i32>} : memref<48xi32, #tpu.memory_space<vmem>>, vector<16xi32>,
      %get3A_27 = arith.constant 0 : index
      %get3A_28 = tpu.vector_load %arg9[%get3A_27] {strides = array<i32>} : memref<32xi32, #tpu.memory_space<vmem>>, vector<16xi32>,
      %get3A_29 = arith.constant 16 : index
      %get3A_30 = tpu.vector_load %arg9[%get3A_29] {strides = array<i32>} : memref<32xi32, #tpu.memory_space<vmem>>, vector<16xi32>,
      %eq3A_31 = vector.broadcast %arg1 : i32 to vector<16xi32>
      %eq3A_32 = arith.cmpi eq, %iota3A, %eq3A_31 : vector<16xi32>
      %jit3A = arith.constant 0 : i32
      %broadcast_in_dim3A = vector.broadcast %jit3A : i32 to vector<16xi32>
      %select_n3A = arith.select %eq3A_32, %get3A_24, %broadcast_in_dim3A : vector<16xi1>, vector<16xi32>
      %reduce_sum3A = arith.constant true
      %reduce_sum3A_33 = vector.broadcast %reduce_sum3A : i1 to vector<16xi1>
      %reduce_sum3A_34 = tpu.scan <sum>, %select_n3A masked %reduce_sum3A_33 : vector<16xi32>, vector<16xi1> -> vector<16xi32>
      %reduce_sum3A_35 = vector.extract %reduce_sum3A_34[15] : i32 from vector<16xi32>
      %lt3A = arith.constant 4 : i32
      %lt3A_36 = arith.cmpi slt, %arg1, %lt3A : i32
      %jit3A_37 = arith.constant 0 : i32
      %broadcast_in_dim3A_38 = vector.broadcast %jit3A_37 : i32 to vector<16xi32>
      %select_n3A_39 = arith.select %eq3A_32, %get3A_26, %broadcast_in_dim3A_38 : vector<16xi1>, vector<16xi32>
      %reduce_sum3A_40 = arith.constant true
      %reduce_sum3A_41 = vector.broadcast %reduce_sum3A_40 : i1 to vector<16xi1>
      %reduce_sum3A_42 = tpu.scan <sum>, %select_n3A_39 masked %reduce_sum3A_41 : vector<16xi32>, vector<16xi1> -> vector<16xi32>
      %reduce_sum3A_43 = vector.extract %reduce_sum3A_42[15] : i32 from vector<16xi32>
      %jit3A_44 = arith.constant 0 : i32
      %select_n3A_45 = arith.select %lt3A_36, %reduce_sum3A_43, %jit3A_44 : i32
      %jit3A_46 = arith.constant 0 : i32
      %broadcast_in_dim3A_47 = vector.broadcast %jit3A_46 : i32 to vector<16xi32>
      %select_n3A_48 = arith.select %eq3A_32, %get3A_28, %broadcast_in_dim3A_47 : vector<16xi1>, vector<16xi32>
      %reduce_sum3A_49 = arith.constant true
      %reduce_sum3A_50 = vector.broadcast %reduce_sum3A_49 : i1 to vector<16xi1>
      %reduce_sum3A_51 = tpu.scan <sum>, %select_n3A_48 masked %reduce_sum3A_50 : vector<16xi32>, vector<16xi1> -> vector<16xi32>
      %reduce_sum3A_52 = vector.extract %reduce_sum3A_51[15] : i32 from vector<16xi32>
      %jit3A_53 = arith.constant 0 : i32
      %broadcast_in_dim3A_54 = vector.broadcast %jit3A_53 : i32 to vector<16xi32>
      %select_n3A_55 = arith.select %eq3A_32, %get3A_30, %broadcast_in_dim3A_54 : vector<16xi1>, vector<16xi32>
      %reduce_sum3A_56 = arith.constant true
      %reduce_sum3A_57 = vector.broadcast %reduce_sum3A_56 : i1 to vector<16xi1>
      %reduce_sum3A_58 = tpu.scan <sum>, %select_n3A_55 masked %reduce_sum3A_57 : vector<16xi32>, vector<16xi1> -> vector<16xi32>
      %reduce_sum3A_59 = vector.extract %reduce_sum3A_58[15] : i32 from vector<16xi32>
      %eq3A_60 = arith.constant 0 : i32
      %eq3A_61 = vector.broadcast %eq3A_60 : i32 to vector<16xi32>
      %eq3A_62 = arith.cmpi eq, %iota3A, %eq3A_61 : vector<16xi32>
      %get3A_63 = arith.constant 32 : index
      %get3A_64 = tpu.vector_load %arg8[%get3A_63] {strides = array<i32>} : memref<48xi32, #tpu.memory_space<vmem>>, vector<16xi32>,
      %jit3A_65 = arith.constant 0 : i32
      %broadcast_in_dim3A_66 = vector.broadcast %jit3A_65 : i32 to vector<16xi32>
      %select_n3A_67 = arith.select %eq3A_62, %get3A_64, %broadcast_in_dim3A_66 : vector<16xi1>, vector<16xi32>
      %reduce_sum3A_68 = arith.constant true
      %reduce_sum3A_69 = vector.broadcast %reduce_sum3A_68 : i1 to vector<16xi1>
      %reduce_sum3A_70 = tpu.scan <sum>, %select_n3A_67 masked %reduce_sum3A_69 : vector<16xi32>, vector<16xi1> -> vector<16xi32>
      %reduce_sum3A_71 = vector.extract %reduce_sum3A_70[15] : i32 from vector<16xi32>
      %jit3A_72 = arith.constant 128 : i32
      %div3A = arith.divsi %reduce_sum3A_71, %jit3A_72 : i32
      %sign3A = arith.constant 0 : i32
      %sign3A_73 = arith.cmpi sgt, %reduce_sum3A_71, %sign3A : i32
      %sign3A_74 = arith.extui %sign3A_73 : i1 to i32
      %sign3A_75 = arith.constant 0 : i32
      %sign3A_76 = arith.cmpi slt, %reduce_sum3A_71, %sign3A_75 : i32
      %sign3A_77 = arith.extui %sign3A_76 : i1 to i32
      %sign3A_78 = arith.subi %sign3A_74, %sign3A_77 : i32
      %sign3A_79 = arith.constant 0 : i32
      %sign3A_80 = arith.cmpi sgt, %jit3A_72, %sign3A_79 : i32
      %sign3A_81 = arith.extui %sign3A_80 : i1 to i32
      %sign3A_82 = arith.constant 0 : i32
      %sign3A_83 = arith.cmpi slt, %jit3A_72, %sign3A_82 : i32
      %sign3A_84 = arith.extui %sign3A_83 : i1 to i32
      %sign3A_85 = arith.subi %sign3A_81, %sign3A_84 : i32
      %ne3A = arith.cmpi ne, %sign3A_78, %sign3A_85 : i32
      %rem3A = arith.remsi %reduce_sum3A_71, %jit3A_72 : i32
      %ne3A_86 = arith.constant 0 : i32
      %ne3A_87 = arith.cmpi ne, %rem3A, %ne3A_86 : i32
      %and3A = arith.andi %ne3A, %ne3A_87 : i1
      %sub3A = arith.constant 1 : i32
      %sub3A_88 = arith.subi %div3A, %sub3A : i32
      %select_n3A_89 = arith.select %and3A, %sub3A_88, %div3A : i32
      %mul3A = arith.constant 128 : i32
      %mul3A_90 = arith.muli %select_n3A_89, %mul3A : i32
      %multiple_of3A = tpu.assume_multiple %mul3A_90, 128 : i32
      %dma_start3A_91 = arith.constant 0 : i32
      %dma_start3A_92 = tpu.memref_slice %arg2[%dma_start3A_91, %multiple_of3A] : memref<64x1000000xf32, #tpu.memory_space<hbm>> -> memref<64x128xf32, #tpu.memory_space<hbm>>
      %dma_start3A_93 = arith.constant 0 : i32
      %dma_start3A_94 = tpu.memref_slice %arg2[%dma_start3A_93, %multiple_of3A] : memref<64x1000000xf32, #tpu.memory_space<hbm>> -> memref<64x128xf32, #tpu.memory_space<hbm>>
      tpu.enqueue_dma source(%dma_start3A_94 : memref<64x128xf32, #tpu.memory_space<hbm>>) target(%arg10 : memref<64x128xf32, #tpu.memory_space<vmem>>) target_semaphore(%arg16 : memref<!tpu.dma_semaphore, #tpu.memory_space<semaphore_mem>>)
      %jit3A_95 = arith.constant 128 : i32
      %div3A_96 = arith.divsi %reduce_sum3A_35, %jit3A_95 : i32
      %sign3A_97 = arith.constant 0 : i32
      %sign3A_98 = arith.cmpi sgt, %reduce_sum3A_35, %sign3A_97 : i32
      %sign3A_99 = arith.extui %sign3A_98 : i1 to i32
      %sign3A_100 = arith.constant 0 : i32
      %sign3A_101 = arith.cmpi slt, %reduce_sum3A_35, %sign3A_100 : i32
      %sign3A_102 = arith.extui %sign3A_101 : i1 to i32
      %sign3A_103 = arith.subi %sign3A_99, %sign3A_102 : i32
      %sign3A_104 = arith.constant 0 : i32
      %sign3A_105 = arith.cmpi sgt, %jit3A_95, %sign3A_104 : i32
      %sign3A_106 = arith.extui %sign3A_105 : i1 to i32
      %sign3A_107 = arith.constant 0 : i32
      %sign3A_108 = arith.cmpi slt, %jit3A_95, %sign3A_107 : i32
      %sign3A_109 = arith.extui %sign3A_108 : i1 to i32
      %sign3A_110 = arith.subi %sign3A_106, %sign3A_109 : i32
      %ne3A_111 = arith.cmpi ne, %sign3A_103, %sign3A_110 : i32
      %rem3A_112 = arith.remsi %reduce_sum3A_35, %jit3A_95 : i32
      %ne3A_113 = arith.constant 0 : i32
      %ne3A_114 = arith.cmpi ne, %rem3A_112, %ne3A_113 : i32
      %and3A_115 = arith.andi %ne3A_111, %ne3A_114 : i1
      %sub3A_116 = arith.constant 1 : i32
      %sub3A_117 = arith.subi %div3A_96, %sub3A_116 : i32
      %select_n3A_118 = arith.select %and3A_115, %sub3A_117, %div3A_96 : i32
      %mul3A_119 = arith.constant 128 : i32
      %mul3A_120 = arith.muli %select_n3A_118, %mul3A_119 : i32
      %multiple_of3A_121 = tpu.assume_multiple %mul3A_120, 128 : i32
      %dma_start3A_122 = arith.constant 0 : i32
      %dma_start3A_123 = tpu.memref_slice %arg3[%dma_start3A_122, %multiple_of3A_121] : memref<64x999999xf32, #tpu.memory_space<hbm>> -> memref<64x128xf32, #tpu.memory_space<hbm>>
      %dma_start3A_124 = arith.constant 0 : i32
      %dma_start3A_125 = tpu.memref_slice %arg3[%dma_start3A_124, %multiple_of3A_121] : memref<64x999999xf32, #tpu.memory_space<hbm>> -> memref<64x128xf32, #tpu.memory_space<hbm>>
      tpu.enqueue_dma source(%dma_start3A_125 : memref<64x128xf32, #tpu.memory_space<hbm>>) target(%arg11 : memref<64x128xf32, #tpu.memory_space<vmem>>) target_semaphore(%arg15 : memref<!tpu.dma_semaphore, #tpu.memory_space<semaphore_mem>>)
      %convert_element_type3A_126 = arith.extui %lt3A_36 : i1 to i32
      %cond3A_127 = arith.constant 0 : i32
      %cond3A_128 = arith.cmpi ne, %convert_element_type3A_126, %cond3A_127 : i32
      scf.if %cond3A_128 {
        %jit3A_336 = arith.constant 128 : i32
        %div3A_337 = arith.divsi %select_n3A_45, %jit3A_336 : i32
        %sign3A_338 = arith.constant 0 : i32
        %sign3A_339 = arith.cmpi sgt, %select_n3A_45, %sign3A_338 : i32
        %sign3A_340 = arith.extui %sign3A_339 : i1 to i32
        %sign3A_341 = arith.constant 0 : i32
        %sign3A_342 = arith.cmpi slt, %select_n3A_45, %sign3A_341 : i32
        %sign3A_343 = arith.extui %sign3A_342 : i1 to i32
        %sign3A_344 = arith.subi %sign3A_340, %sign3A_343 : i32
        %sign3A_345 = arith.constant 0 : i32
        %sign3A_346 = arith.cmpi sgt, %jit3A_336, %sign3A_345 : i32
        %sign3A_347 = arith.extui %sign3A_346 : i1 to i32
        %sign3A_348 = arith.constant 0 : i32
        %sign3A_349 = arith.cmpi slt, %jit3A_336, %sign3A_348 : i32
        %sign3A_350 = arith.extui %sign3A_349 : i1 to i32
        %sign3A_351 = arith.subi %sign3A_347, %sign3A_350 : i32
        %ne3A_352 = arith.cmpi ne, %sign3A_344, %sign3A_351 : i32
        %rem3A_353 = arith.remsi %select_n3A_45, %jit3A_336 : i32
        %ne3A_354 = arith.constant 0 : i32
        %ne3A_355 = arith.cmpi ne, %rem3A_353, %ne3A_354 : i32
        %and3A_356 = arith.andi %ne3A_352, %ne3A_355 : i1
        %sub3A_357 = arith.constant 1 : i32
        %sub3A_358 = arith.subi %div3A_337, %sub3A_357 : i32
        %select_n3A_359 = arith.select %and3A_356, %sub3A_358, %div3A_337 : i32
        %mul3A_360 = arith.constant 128 : i32
        %mul3A_361 = arith.muli %select_n3A_359, %mul3A_360 : i32
        %multiple_of3A_362 = tpu.assume_multiple %mul3A_361, 128 : i32
        %dma_start3A_363 = arith.constant 0 : i32
        %dma_start3A_364 = tpu.memref_slice %arg3[%dma_start3A_363, %multiple_of3A_362] : memref<64x999999xf32, #tpu.memory_space<hbm>> -> memref<64x128xf32, #tpu.memory_space<hbm>>
        %dma_start3A_365 = arith.constant 0 : i32
        %dma_start3A_366 = tpu.memref_slice %arg3[%dma_start3A_365, %multiple_of3A_362] : memref<64x999999xf32, #tpu.memory_space<hbm>> -> memref<64x128xf32, #tpu.memory_space<hbm>>
        tpu.enqueue_dma source(%dma_start3A_366 : memref<64x128xf32, #tpu.memory_space<hbm>>) target(%arg12 : memref<64x128xf32, #tpu.memory_space<vmem>>) target_semaphore(%arg15 : memref<!tpu.dma_semaphore, #tpu.memory_space<semaphore_mem>>)
        %dma_wait3A_367 = arith.constant 0 : i32
        %dma_wait3A_368 = tpu.memref_slice %arg3[%dma_wait3A_367, %multiple_of3A_362] : memref<64x999999xf32, #tpu.memory_space<hbm>> -> memref<64x128xf32, #tpu.memory_space<hbm>>
        %dma_wait3A_369 = arith.constant 0 : i32
        %dma_wait3A_370 = tpu.memref_slice %arg3[%dma_wait3A_369, %multiple_of3A_362] : memref<64x999999xf32, #tpu.memory_space<hbm>> -> memref<64x128xf32, #tpu.memory_space<hbm>>
        tpu.wait_dma2 semaphore(%arg15 : memref<!tpu.dma_semaphore, #tpu.memory_space<semaphore_mem>>) src(%dma_wait3A_370 : memref<64x128xf32, #tpu.memory_space<hbm>>) dst(%arg12 : memref<64x128xf32, #tpu.memory_space<vmem>>)
      } else {
      }
      %dma_wait3A_129 = arith.constant 0 : i32
      %dma_wait3A_130 = tpu.memref_slice %arg2[%dma_wait3A_129, %multiple_of3A] : memref<64x1000000xf32, #tpu.memory_space<hbm>> -> memref<64x128xf32, #tpu.memory_space<hbm>>
      %dma_wait3A_131 = arith.constant 0 : i32
      %dma_wait3A_132 = tpu.memref_slice %arg2[%dma_wait3A_131, %multiple_of3A] : memref<64x1000000xf32, #tpu.memory_space<hbm>> -> memref<64x128xf32, #tpu.memory_space<hbm>>
      tpu.wait_dma2 semaphore(%arg16 : memref<!tpu.dma_semaphore, #tpu.memory_space<semaphore_mem>>) src(%dma_wait3A_132 : memref<64x128xf32, #tpu.memory_space<hbm>>) dst(%arg10 : memref<64x128xf32, #tpu.memory_space<vmem>>)
      %dma_wait3A_133 = arith.constant 0 : i32
      %dma_wait3A_134 = tpu.memref_slice %arg3[%dma_wait3A_133, %multiple_of3A_121] : memref<64x999999xf32, #tpu.memory_space<hbm>> -> memref<64x128xf32, #tpu.memory_space<hbm>>
      %dma_wait3A_135 = arith.constant 0 : i32
      %dma_wait3A_136 = tpu.memref_slice %arg3[%dma_wait3A_135, %multiple_of3A_121] : memref<64x999999xf32, #tpu.memory_space<hbm>> -> memref<64x128xf32, #tpu.memory_space<hbm>>
      tpu.wait_dma2 semaphore(%arg15 : memref<!tpu.dma_semaphore, #tpu.memory_space<semaphore_mem>>) src(%dma_wait3A_136 : memref<64x128xf32, #tpu.memory_space<hbm>>) dst(%arg11 : memref<64x128xf32, #tpu.memory_space<vmem>>)
      %and3A_137 = arith.constant 127 : i32
      %and3A_138 = arith.andi %reduce_sum3A_71, %and3A_137 : i32
      %broadcast_in_dim3A_139 = vector.broadcast %and3A_138 : i32 to vector<16xi32>
      %iota3A_140 = tpu.iota {dimensions = array<i32: 0>} : vector<16xi32>
      %add3A = arith.constant 0 : i32
      %add3A_141 = vector.broadcast %add3A : i32 to vector<16xi32>
      %add3A_142 = arith.addi %iota3A_140, %add3A_141 : vector<16xi32>
      %gather3A = tpu.vector_load_idx %arg10[%add3A_142, %broadcast_in_dim3A_139] : memref<64x128xf32, #tpu.memory_space<vmem>>[vector<16xi32>, vector<16xi32>], vector<16xf32>,
      %iota3A_143 = tpu.iota {dimensions = array<i32: 0>} : vector<16xi32>
      %add3A_144 = arith.constant 16 : i32
      %add3A_145 = vector.broadcast %add3A_144 : i32 to vector<16xi32>
      %add3A_146 = arith.addi %iota3A_143, %add3A_145 : vector<16xi32>
      %gather3A_147 = tpu.vector_load_idx %arg10[%add3A_146, %broadcast_in_dim3A_139] : memref<64x128xf32, #tpu.memory_space<vmem>>[vector<16xi32>, vector<16xi32>], vector<16xf32>,
      %iota3A_148 = tpu.iota {dimensions = array<i32: 0>} : vector<16xi32>
      %add3A_149 = arith.constant 32 : i32
      %add3A_150 = vector.broadcast %add3A_149 : i32 to vector<16xi32>
      %add3A_151 = arith.addi %iota3A_148, %add3A_150 : vector<16xi32>
      %gather3A_152 = tpu.vector_load_idx %arg10[%add3A_151, %broadcast_in_dim3A_139] : memref<64x128xf32, #tpu.memory_space<vmem>>[vector<16xi32>, vector<16xi32>], vector<16xf32>,
      %iota3A_153 = tpu.iota {dimensions = array<i32: 0>} : vector<16xi32>
      %add3A_154 = arith.constant 48 : i32
      %add3A_155 = vector.broadcast %add3A_154 : i32 to vector<16xi32>
      %add3A_156 = arith.addi %iota3A_153, %add3A_155 : vector<16xi32>
      %gather3A_157 = tpu.vector_load_idx %arg10[%add3A_156, %broadcast_in_dim3A_139] : memref<64x128xf32, #tpu.memory_space<vmem>>[vector<16xi32>, vector<16xi32>], vector<16xf32>,
      %and3A_158 = arith.constant 127 : i32
      %and3A_159 = arith.andi %reduce_sum3A_35, %and3A_158 : i32
      %broadcast_in_dim3A_160 = vector.broadcast %and3A_159 : i32 to vector<16xi32>
      %iota3A_161 = tpu.iota {dimensions = array<i32: 0>} : vector<16xi32>
      %add3A_162 = arith.constant 0 : i32
      %add3A_163 = vector.broadcast %add3A_162 : i32 to vector<16xi32>
      %add3A_164 = arith.addi %iota3A_161, %add3A_163 : vector<16xi32>
      %gather3A_165 = tpu.vector_load_idx %arg11[%add3A_164, %broadcast_in_dim3A_160] : memref<64x128xf32, #tpu.memory_space<vmem>>[vector<16xi32>, vector<16xi32>], vector<16xf32>,
      %iota3A_166 = tpu.iota {dimensions = array<i32: 0>} : vector<16xi32>
      %add3A_167 = arith.constant 16 : i32
      %add3A_168 = vector.broadcast %add3A_167 : i32 to vector<16xi32>
      %add3A_169 = arith.addi %iota3A_166, %add3A_168 : vector<16xi32>
      %gather3A_170 = tpu.vector_load_idx %arg11[%add3A_169, %broadcast_in_dim3A_160] : memref<64x128xf32, #tpu.memory_space<vmem>>[vector<16xi32>, vector<16xi32>], vector<16xf32>,
      %iota3A_171 = tpu.iota {dimensions = array<i32: 0>} : vector<16xi32>
      %add3A_172 = arith.constant 32 : i32
      %add3A_173 = vector.broadcast %add3A_172 : i32 to vector<16xi32>
      %add3A_174 = arith.addi %iota3A_171, %add3A_173 : vector<16xi32>
      %gather3A_175 = tpu.vector_load_idx %arg11[%add3A_174, %broadcast_in_dim3A_160] : memref<64x128xf32, #tpu.memory_space<vmem>>[vector<16xi32>, vector<16xi32>], vector<16xf32>,
      %iota3A_176 = tpu.iota {dimensions = array<i32: 0>} : vector<16xi32>
      %add3A_177 = arith.constant 48 : i32
      %add3A_178 = vector.broadcast %add3A_177 : i32 to vector<16xi32>
      %add3A_179 = arith.addi %iota3A_176, %add3A_178 : vector<16xi32>
      %gather3A_180 = tpu.vector_load_idx %arg11[%add3A_179, %broadcast_in_dim3A_160] : memref<64x128xf32, #tpu.memory_space<vmem>>[vector<16xi32>, vector<16xi32>], vector<16xf32>,
      %mul3A_181 = arith.mulf %gather3A_165, %gather3A : vector<16xf32>
      %mul3A_182 = arith.mulf %gather3A_170, %gather3A_147 : vector<16xf32>
      %add3A_183 = arith.addf %mul3A_181, %mul3A_182 : vector<16xf32>
      %mul3A_184 = arith.mulf %gather3A_175, %gather3A_152 : vector<16xf32>
      %add3A_185 = arith.addf %add3A_183, %mul3A_184 : vector<16xf32>
      %mul3A_186 = arith.mulf %gather3A_180, %gather3A_157 : vector<16xf32>
      %add3A_187 = arith.addf %add3A_185, %mul3A_186 : vector<16xf32>
      %reduce_sum3A_188 = arith.constant true
      %reduce_sum3A_189 = vector.broadcast %reduce_sum3A_188 : i1 to vector<16xi1>
      %reduce_sum3A_190 = tpu.scan <sum>, %add3A_187 masked %reduce_sum3A_189 : vector<16xf32>, vector<16xi1> -> vector<16xf32>
      %reduce_sum3A_191 = vector.extract %reduce_sum3A_190[15] : f32 from vector<16xf32>
      %and3A_192 = arith.constant 127 : i32
      %and3A_193 = arith.andi %select_n3A_45, %and3A_192 : i32
      %broadcast_in_dim3A_194 = vector.broadcast %and3A_193 : i32 to vector<16xi32>
      %iota3A_195 = tpu.iota {dimensions = array<i32: 0>} : vector<16xi32>
      %add3A_196 = arith.constant 0 : i32
      %add3A_197 = vector.broadcast %add3A_196 : i32 to vector<16xi32>
      %add3A_198 = arith.addi %iota3A_195, %add3A_197 : vector<16xi32>
      %gather3A_199 = tpu.vector_load_idx %arg12[%add3A_198, %broadcast_in_dim3A_194] : memref<64x128xf32, #tpu.memory_space<vmem>>[vector<16xi32>, vector<16xi32>], vector<16xf32>,
      %iota3A_200 = tpu.iota {dimensions = array<i32: 0>} : vector<16xi32>
      %add3A_201 = arith.constant 16 : i32
      %add3A_202 = vector.broadcast %add3A_201 : i32 to vector<16xi32>
      %add3A_203 = arith.addi %iota3A_200, %add3A_202 : vector<16xi32>
      %gather3A_204 = tpu.vector_load_idx %arg12[%add3A_203, %broadcast_in_dim3A_194] : memref<64x128xf32, #tpu.memory_space<vmem>>[vector<16xi32>, vector<16xi32>], vector<16xf32>,
      %iota3A_205 = tpu.iota {dimensions = array<i32: 0>} : vector<16xi32>
      %add3A_206 = arith.constant 32 : i32
      %add3A_207 = vector.broadcast %add3A_206 : i32 to vector<16xi32>
      %add3A_208 = arith.addi %iota3A_205, %add3A_207 : vector<16xi32>
      %gather3A_209 = tpu.vector_load_idx %arg12[%add3A_208, %broadcast_in_dim3A_194] : memref<64x128xf32, #tpu.memory_space<vmem>>[vector<16xi32>, vector<16xi32>], vector<16xf32>,
      %iota3A_210 = tpu.iota {dimensions = array<i32: 0>} : vector<16xi32>
      %add3A_211 = arith.constant 48 : i32
      %add3A_212 = vector.broadcast %add3A_211 : i32 to vector<16xi32>
      %add3A_213 = arith.addi %iota3A_210, %add3A_212 : vector<16xi32>
      %gather3A_214 = tpu.vector_load_idx %arg12[%add3A_213, %broadcast_in_dim3A_194] : memref<64x128xf32, #tpu.memory_space<vmem>>[vector<16xi32>, vector<16xi32>], vector<16xf32>,
      %mul3A_215 = arith.mulf %gather3A_199, %gather3A : vector<16xf32>
      %mul3A_216 = arith.mulf %gather3A_204, %gather3A_147 : vector<16xf32>
      %add3A_217 = arith.addf %mul3A_215, %mul3A_216 : vector<16xf32>
      %mul3A_218 = arith.mulf %gather3A_209, %gather3A_152 : vector<16xf32>
      %add3A_219 = arith.addf %add3A_217, %mul3A_218 : vector<16xf32>
      %mul3A_220 = arith.mulf %gather3A_214, %gather3A_157 : vector<16xf32>
      %add3A_221 = arith.addf %add3A_219, %mul3A_220 : vector<16xf32>
      %reduce_sum3A_222 = arith.constant true
      %reduce_sum3A_223 = vector.broadcast %reduce_sum3A_222 : i1 to vector<16xi1>
      %reduce_sum3A_224 = tpu.scan <sum>, %add3A_221 masked %reduce_sum3A_223 : vector<16xf32>, vector<16xi1> -> vector<16xf32>
      %reduce_sum3A_225 = vector.extract %reduce_sum3A_224[15] : f32 from vector<16xf32>
      %broadcast_in_dim3A_226 = arith.constant 0.000000e+00 : f32
      %broadcast_in_dim3A_227 = vector.broadcast %broadcast_in_dim3A_226 : f32 to vector<16xf32>
      %eq3A_228 = arith.constant 0 : i32
      %eq3A_229 = vector.broadcast %eq3A_228 : i32 to vector<16xi32>
      %eq3A_230 = arith.cmpi eq, %iota3A, %eq3A_229 : vector<16xi32>
      %broadcast_in_dim3A_231 = vector.broadcast %reduce_sum3A_191 : f32 to vector<16xf32>
      %eq3A_232 = arith.constant 1 : i32
      %eq3A_233 = vector.broadcast %eq3A_232 : i32 to vector<16xi32>
      %eq3A_234 = arith.cmpi eq, %iota3A, %eq3A_233 : vector<16xi32>
      %broadcast_in_dim3A_235 = vector.broadcast %reduce_sum3A_225 : f32 to vector<16xf32>
      %select_n3A_236 = arith.select %eq3A_234, %broadcast_in_dim3A_235, %broadcast_in_dim3A_227 : vector<16xi1>, vector<16xf32>
      %select_n3A_237 = arith.select %eq3A_230, %broadcast_in_dim3A_231, %select_n3A_236 : vector<16xi1>, vector<16xf32>
      %eq3A_238 = arith.constant 0 : i32
      %eq3A_239 = vector.broadcast %eq3A_238 : i32 to vector<16xi32>
      %eq3A_240 = arith.cmpi eq, %iota3A, %eq3A_239 : vector<16xi32>
      %broadcast_in_dim3A_241 = vector.broadcast %reduce_sum3A_52 : i32 to vector<16xi32>
      %broadcast_in_dim3A_242 = vector.broadcast %reduce_sum3A_59 : i32 to vector<16xi32>
      %select_n3A_243 = arith.select %eq3A_240, %broadcast_in_dim3A_241, %broadcast_in_dim3A_242 : vector<16xi1>, vector<16xi32>
      %eq3A_244 = arith.constant 1 : i32
      %eq3A_245 = vector.broadcast %eq3A_244 : i32 to vector<16xi32>
      %eq3A_246 = arith.cmpi eq, %select_n3A_243, %eq3A_245 : vector<16xi32>
      %neg3A = arith.constant 0.000000e+00 : f32
      %neg3A_247 = vector.broadcast %neg3A : f32 to vector<16xf32>
      %neg3A_248 = arith.subf %neg3A_247, %select_n3A_237 : vector<16xf32>
      %select_n3A_249 = arith.select %eq3A_246, %select_n3A_237, %neg3A_248 : vector<16xi1>, vector<16xf32>
      %neg3A_250 = arith.constant 0.000000e+00 : f32
      %neg3A_251 = vector.broadcast %neg3A_250 : f32 to vector<16xf32>
      %neg3A_252 = arith.subf %neg3A_251, %select_n3A_249 : vector<16xf32>
      %exp3A = math.exp %neg3A_252 : vector<16xf32>
      %add3A_253 = arith.constant 1.000000e+00 : f32
      %add3A_254 = vector.broadcast %add3A_253 : f32 to vector<16xf32>
      %add3A_255 = arith.addf %add3A_254, %exp3A : vector<16xf32>
      %div3A_256 = arith.constant 1.000000e+00 : f32
      %div3A_257 = vector.broadcast %div3A_256 : f32 to vector<16xf32>
      %div3A_258 = arith.divf %div3A_257, %add3A_255 : vector<16xf32>
      %add3A_259 = arith.constant 9.99999971E-10 : f32
      %add3A_260 = vector.broadcast %add3A_259 : f32 to vector<16xf32>
      %add3A_261 = arith.addf %div3A_258, %add3A_260 : vector<16xf32>
      %bitcast_convert_type3A = tpu.bitcast %add3A_261 : vector<16xf32> -> vector<16xi32>
      %shift_right_arithmetic3A = arith.constant 23 : i32
      %shift_right_arithmetic3A_262 = vector.broadcast %shift_right_arithmetic3A : i32 to vector<16xi32>
      %shift_right_arithmetic3A_263 = arith.shrsi %bitcast_convert_type3A, %shift_right_arithmetic3A_262 : vector<16xi32>
      %sub3A_264 = arith.constant 127 : i32
      %sub3A_265 = vector.broadcast %sub3A_264 : i32 to vector<16xi32>
      %sub3A_266 = arith.subi %shift_right_arithmetic3A_263, %sub3A_265 : vector<16xi32>
      %and3A_267 = arith.constant 8388607 : i32
      %and3A_268 = vector.broadcast %and3A_267 : i32 to vector<16xi32>
      %and3A_269 = arith.andi %bitcast_convert_type3A, %and3A_268 : vector<16xi32>
      %or3A = arith.constant 1065353216 : i32
      %or3A_270 = vector.broadcast %or3A : i32 to vector<16xi32>
      %or3A_271 = arith.ori %and3A_269, %or3A_270 : vector<16xi32>
      %bitcast_convert_type3A_272 = tpu.bitcast %or3A_271 : vector<16xi32> -> vector<16xf32>
      %gt3A = arith.constant 1.41421354 : f32
      %gt3A_273 = vector.broadcast %gt3A : f32 to vector<16xf32>
      %gt3A_274 = arith.cmpf ogt, %bitcast_convert_type3A_272, %gt3A_273 : vector<16xf32>
      %mul3A_275 = arith.constant 5.000000e-01 : f32
      %mul3A_276 = vector.broadcast %mul3A_275 : f32 to vector<16xf32>
      %mul3A_277 = arith.mulf %bitcast_convert_type3A_272, %mul3A_276 : vector<16xf32>
      %select_n3A_278 = arith.select %gt3A_274, %mul3A_277, %bitcast_convert_type3A_272 : vector<16xi1>, vector<16xf32>
      %convert_element_type3A_279 = arith.sitofp %sub3A_266 : vector<16xi32> to vector<16xf32>
      %jit3A_280 = arith.constant 1.000000e+00 : f32
      %jit3A_281 = arith.constant 0.000000e+00 : f32
      %broadcast_in_dim3A_282 = vector.broadcast %jit3A_280 : f32 to vector<16xf32>
      %broadcast_in_dim3A_283 = vector.broadcast %jit3A_281 : f32 to vector<16xf32>
      %select_n3A_284 = arith.select %gt3A_274, %broadcast_in_dim3A_282, %broadcast_in_dim3A_283 : vector<16xi1>, vector<16xf32>
      %add3A_285 = arith.addf %convert_element_type3A_279, %select_n3A_284 : vector<16xf32>
      %sub3A_286 = arith.constant 1.000000e+00 : f32
      %sub3A_287 = vector.broadcast %sub3A_286 : f32 to vector<16xf32>
      %sub3A_288 = arith.subf %select_n3A_278, %sub3A_287 : vector<16xf32>
      %add3A_289 = arith.constant 1.000000e+00 : f32
      %add3A_290 = vector.broadcast %add3A_289 : f32 to vector<16xf32>
      %add3A_291 = arith.addf %select_n3A_278, %add3A_290 : vector<16xf32>
      %div3A_292 = arith.divf %sub3A_288, %add3A_291 : vector<16xf32>
      %mul3A_293 = arith.mulf %div3A_292, %div3A_292 : vector<16xf32>
      %mul3A_294 = arith.constant 0.111111112 : f32
      %mul3A_295 = vector.broadcast %mul3A_294 : f32 to vector<16xf32>
      %mul3A_296 = arith.mulf %mul3A_293, %mul3A_295 : vector<16xf32>
      %add3A_297 = arith.constant 0.142857149 : f32
      %add3A_298 = vector.broadcast %add3A_297 : f32 to vector<16xf32>
      %add3A_299 = arith.addf %add3A_298, %mul3A_296 : vector<16xf32>
      %mul3A_300 = arith.mulf %mul3A_293, %add3A_299 : vector<16xf32>
      %add3A_301 = arith.constant 2.000000e-01 : f32
      %add3A_302 = vector.broadcast %add3A_301 : f32 to vector<16xf32>
      %add3A_303 = arith.addf %add3A_302, %mul3A_300 : vector<16xf32>
      %mul3A_304 = arith.mulf %mul3A_293, %add3A_303 : vector<16xf32>
      %add3A_305 = arith.constant 0.333333343 : f32
      %add3A_306 = vector.broadcast %add3A_305 : f32 to vector<16xf32>
      %add3A_307 = arith.addf %add3A_306, %mul3A_304 : vector<16xf32>
      %mul3A_308 = arith.mulf %mul3A_293, %add3A_307 : vector<16xf32>
      %add3A_309 = arith.constant 1.000000e+00 : f32
      %add3A_310 = vector.broadcast %add3A_309 : f32 to vector<16xf32>
      %add3A_311 = arith.addf %add3A_310, %mul3A_308 : vector<16xf32>
      %mul3A_312 = arith.constant 0.693147182 : f32
      %mul3A_313 = vector.broadcast %mul3A_312 : f32 to vector<16xf32>
      %mul3A_314 = arith.mulf %add3A_285, %mul3A_313 : vector<16xf32>
      %mul3A_315 = arith.constant 2.000000e+00 : f32
      %mul3A_316 = vector.broadcast %mul3A_315 : f32 to vector<16xf32>
      %mul3A_317 = arith.mulf %mul3A_316, %div3A_292 : vector<16xf32>
      %mul3A_318 = arith.mulf %mul3A_317, %add3A_311 : vector<16xf32>
      %add3A_319 = arith.addf %mul3A_314, %mul3A_318 : vector<16xf32>
      %eq3A_320 = arith.constant 0 : i32
      %eq3A_321 = vector.broadcast %eq3A_320 : i32 to vector<16xi32>
      %eq3A_322 = arith.cmpi eq, %iota3A, %eq3A_321 : vector<16xi32>
      %eq3A_323 = arith.constant 1 : i32
      %eq3A_324 = vector.broadcast %eq3A_323 : i32 to vector<16xi32>
      %eq3A_325 = arith.cmpi eq, %iota3A, %eq3A_324 : vector<16xi32>
      %and3A_326 = vector.broadcast %lt3A_36 : i1 to vector<16xi1>
      %and3A_327 = arith.andi %eq3A_325, %and3A_326 : vector<16xi1>
      %or3A_328 = arith.ori %eq3A_322, %and3A_327 : vector<16xi1>
      %neg3A_329 = arith.constant 0.000000e+00 : f32
      %neg3A_330 = vector.broadcast %neg3A_329 : f32 to vector<16xf32>
      %neg3A_331 = arith.subf %neg3A_330, %add3A_319 : vector<16xf32>
      %jit3A_332 = arith.constant 0.000000e+00 : f32
      %broadcast_in_dim3A_333 = vector.broadcast %jit3A_332 : f32 to vector<16xf32>
      %select_n3A_334 = arith.select %or3A_328, %neg3A_331, %broadcast_in_dim3A_333 : vector<16xi1>, vector<16xf32>
      %swap3A = arith.constant 0 : index
      %swap3A_335 = tpu.vector_load %arg13[%swap3A] {strides = array<i32>} : memref<16xf32, #tpu.memory_space<vmem>>, vector<16xf32>,
      tpu.vector_store %arg13[%swap3A], %select_n3A_334 {strides = array<i32>} : memref<16xf32, #tpu.memory_space<vmem>>, vector<16xf32>,
      "tpu.region"() ({
        %run_scoped3A = tpu.sem_alloc : memref<!tpu.dma_semaphore, #tpu.memory_space<semaphore_mem>>
        %dma_start3A_336 = arith.constant 0 : i32
        %dma_start3A_337 = tpu.memref_slice %arg7[%arg1, %dma_start3A_336] : memref<16x16xf32, #tpu.memory_space<hbm>> -> memref<1x16xf32, #tpu.memory_space<hbm>>
        %dma_start3A_338 = tpu.memref_squeeze %dma_start3A_337 : memref<1x16xf32, #tpu.memory_space<hbm>> -> memref<16xf32, #tpu.memory_space<hbm>>
        %dma_start3A_339 = arith.constant 0 : i32
        %dma_start3A_340 = tpu.memref_slice %arg7[%arg1, %dma_start3A_339] : memref<16x16xf32, #tpu.memory_space<hbm>> -> memref<1x16xf32, #tpu.memory_space<hbm>>
        %dma_start3A_341 = tpu.memref_squeeze %dma_start3A_340 : memref<1x16xf32, #tpu.memory_space<hbm>> -> memref<16xf32, #tpu.memory_space<hbm>>
        tpu.enqueue_dma source(%arg13 : memref<16xf32, #tpu.memory_space<vmem>>) target(%dma_start3A_341 : memref<16xf32, #tpu.memory_space<hbm>>) target_semaphore(%run_scoped3A : memref<!tpu.dma_semaphore, #tpu.memory_space<semaphore_mem>>)
        %dma_wait3A_342 = arith.constant 0 : i32
        %dma_wait3A_343 = tpu.memref_slice %arg7[%arg1, %dma_wait3A_342] : memref<16x16xf32, #tpu.memory_space<hbm>> -> memref<1x16xf32, #tpu.memory_space<hbm>>
        %dma_wait3A_344 = tpu.memref_squeeze %dma_wait3A_343 : memref<1x16xf32, #tpu.memory_space<hbm>> -> memref<16xf32, #tpu.memory_space<hbm>>
        %dma_wait3A_345 = arith.constant 0 : i32
        %dma_wait3A_346 = tpu.memref_slice %arg7[%arg1, %dma_wait3A_345] : memref<16x16xf32, #tpu.memory_space<hbm>> -> memref<1x16xf32, #tpu.memory_space<hbm>>
        %dma_wait3A_347 = tpu.memref_squeeze %dma_wait3A_346 : memref<1x16xf32, #tpu.memory_space<hbm>> -> memref<16xf32, #tpu.memory_space<hbm>>
        tpu.wait_dma2 semaphore(%run_scoped3A : memref<!tpu.dma_semaphore, #tpu.memory_space<semaphore_mem>>) src(%arg13 : memref<16xf32, #tpu.memory_space<vmem>>) dst(%dma_wait3A_347 : memref<16xf32, #tpu.memory_space<hbm>>)
        tpu.yield
      }) : () -> ()
    } else {
    }
    return
  }
}

</mosaic_0001>

<sc_bundles>
// kernel: kernel.3.cloned.1.call-start
scs
__scs_entry_jumppad:
0x0: {  	(pc) =	sbr.rel $0x88, $3  }
0x1: {  	(tag) =	ssettag $0x0;
	lr =	simm.s32 $0x1  }
0x2: {  	[smem:$0x3F9C] =	sst lr;
	_ =	strace $0xD0000000  }
0x3: {  	_ = 	snop  }
0x4: {  	_ = 	snop  }
0x5: {  	_ = 	snop  }
0x6: {  	_ = 	snop  }
0x7: {  	_ = 	snop  }
__scs_overlays_trampoline_lowered:
0x8: {  	[smem:$0x3FAB] =	sst s0  }
0x9: {  	[smem:$0x3FAC] =	sst s1  }
0xa: {  	[smem:$0x3FAD] =	sst s2  }
0xb: {  	[smem:$0x3FAE] =	sst s3  }
0xc: {  	[smem:$0x3FAF] =	sst s4  }
0xd: {  	[smem:$0x3FB0] =	sst s5  }
0xe: {  	[smem:$0x3FB1] =	sst s6  }
0xf: {  	[smem:$0x3FB2] =	sst s7  }
0x10: {  	[smem:$0x3FB3] =	sst s8  }
0x11: {  	[smem:$0x3FB4] =	sst s9;
	s0 =	simm.s32 @!p0 $0x0  }
0x12: {  	s1 =	sld [smem:$0x3F9A];
	s0 =	simm.s32 @p0 $0x1  }
0x13: {  	[smem:$0x3FB5] =	sst s0;
	s0 =	simm.s32 @!p1 $0x0  }
0x14: {  	s2 =	sld [smem:$0x3F99];
	s0 =	simm.s32 @p1 $0x1  }
0x15: {  	[smem:$0x3FB6] =	sst s0;
	s0 =	simm.s32 @!p2 $0x0  }
0x16: {  	s3 =	sld [smem:$0x3FDB];
	s0 =	simm.s32 @p2 $0x1  }
0x17: {  	s4 =	simm.s32 $0x1BF5;
	[smem:$0x3FB8] =	sst s0  }
0x18: {  	s0 =	sld [smem:$0x3F9B];
	_ =	swait.ge [sflag:s4], $0x0  }
0x19: {  	s7 =	sld [smem:$0x3F9C]  }
0x1a: {  	s8 =	sadd.s32 $0xFFFFE003, lr  }
0x1b: {  	s9 =	sadd.s32 $0xFFFFFEF7, lr;
	s5 =	simm.s32 $0xFFFFFFFF;
	p2 =	slt.u32 s8, $0xFFFFF086  }
0x1c: {  	p1 =	slt.u32 s9, $0xF7A;
	s5 =	simm.s32 @!p2 $0x0  }
0x1d: {  	s5 =	simm.s32 @p1 $0x1;
	p0 =	seq.s32 s7, s2  }
0x1e: {  	s7 =	smul.u32 @!p0 $0xF7A, s2;
	p2 =	seq.s32 @!p0 s5, $0x0  }
0x1f: {  	s9 =	smul.u32 $0xF7A, s1;
	s8 =	simm.s32 @!p0 $0x1BF5;
	p2 =	por !p2, p0  }
0x20: {  	[sflag:s8] =	ssyncset.s32 @!p0 $0xFFFFF086;
	s6 =	sadd.s32 @!p0 s3, s7;
	s7 =	simm.s32 @!p0 $0x108  }
0x21: {  	s3 =	sadd.s32 s3, s9;
	s6 =	sadd.s32 @!p0 $0x88, s6;
	s7 =	simm.s32 @p2 $0x1082  }
0x22: {  	[simem:s7], [sflag:s8] =	dma.local @!p0 [hbm:s6], $0xF7A  }
0x23: {  	s9 =	sor.u32 $0xD0000000, s2;
	s6 =	simm.s32 $0x108;
	_ =	swait.ge @!p0 [sflag:s8], $0x0  }
0x24: {  	s3 =	sadd.s32 $0x88, s3;
	s6 =	simm.s32 @!p1 $0x1082;
	[sflag:s4] =	ssyncset.s32 $0xFFFFF086  }
0x25: {  	[simem:s6], [sflag:s4] =	dma.local [hbm:s3], $0xF7A  }
0x26: {  	[smem:$0x3F9C] =	sst s1;
	(tag) =	ssettag s2;
	_ =	strace s9  }
0x27: {  	s1 =	sld [smem:$0x3FAC]  }
0x28: {  	s2 =	sld [smem:$0x3FAD]  }
0x29: {  	s4 =	sld [smem:$0x3FAF]  }
0x2a: {  	p0 =	seq.s32 s5, $0x0;
	s5 =	sld [smem:$0x3FB0]  }
0x2b: {  	s6 =	sld [smem:$0x3FB1]  }
0x2c: {  	s7 =	sld [smem:$0x3FB2]  }
0x2d: {  	s3 =	simm.s32 $0x108;
	s8 =	sld [smem:$0x3FB3]  }
0x2e: {  	s3 =	simm.s32 @!p0 $0x1082;
	s9 =	sld [smem:$0x3FB4]  }
0x2f: {  	lr =	sadd.s32 s0, s3;
	s0 =	sld [smem:$0x3FAB]  }
0x30: {  	s3 =	sld [smem:$0x3FAE]  }
0x31: {  	[smem:$0x3FB7] =	sst s10  }
0x32: {  	s10 =	sld [smem:$0x3FB5];
	_ =	sdelay $0x3  }
0x33: {  	p0 =	seq.s32 s10, $0x1;
	s10 =	sld [smem:$0x3FB7];
	_ =	sdelay $0x3  }
0x34: {  	[smem:$0x3FB7] =	sst s10  }
0x35: {  	s10 =	sld [smem:$0x3FB6];
	_ =	sdelay $0x3  }
0x36: {  	p1 =	seq.s32 s10, $0x1;
	s10 =	sld [smem:$0x3FB7];
	_ =	sdelay $0x3  }
0x37: {  	[smem:$0x3FB7] =	sst s10  }
0x38: {  	s10 =	sld [smem:$0x3FB8]  }
0x39: {  	_ = 	snop;
	(pc) =	sbr.ind lr, $3  }
0x3a: {  	_ = 	snop  }
0x3b: {  	_ = 	snop  }
0x3c: {  	p2 =	seq.s32 s10, $0x1;
	s10 =	sld [smem:$0x3FB7]  }
0x3d: {  	_ =	shalt  }
0x3e: {  	_ =	shalt  }
0x3f: {  	_ =	shalt  }
0x40: {  	_ =	shalt  }
0x41: {  	_ =	shalt  }
0x42: {  	_ =	shalt  }
0x43: {  	_ =	shalt  }
0x44: {  	_ =	shalt  }
0x45: {  	_ =	shalt  }
0x46: {  	_ =	shalt  }
0x47: {  	_ =	shalt  }
0x48: {  	_ =	shalt  }
0x49: {  	_ =	shalt  }
0x4a: {  	_ =	shalt  }
0x4b: {  	_ =	shalt  }
0x4c: {  	_ =	shalt  }
0x4d: {  	_ =	shalt  }
0x4e: {  	_ =	shalt  }
0x4f: {  	_ =	shalt  }
0x50: {  	_ =	shalt  }
0x51: {  	_ =	shalt  }
0x52: {  	_ =	shalt  }
0x53: {  	_ =	shalt  }
0x54: {  	_ =	shalt  }
0x55: {  	_ =	shalt  }
0x56: {  	_ =	shalt  }
0x57: {  	_ =	shalt  }
0x58: {  	_ =	shalt  }
0x59: {  	_ =	shalt  }
0x5a: {  	_ =	shalt  }
0x5b: {  	_ =	shalt  }
0x5c: {  	_ =	shalt  }
0x5d: {  	_ =	shalt  }
0x5e: {  	_ =	shalt  }
0x5f: {  	_ =	shalt  }
0x60: {  	_ =	shalt  }
0x61: {  	_ =	shalt  }
0x62: {  	_ =	shalt  }
0x63: {  	_ =	shalt  }
0x64: {  	_ =	shalt  }
0x65: {  	_ =	shalt  }
0x66: {  	_ =	shalt  }
0x67: {  	_ =	shalt  }
0x68: {  	_ =	shalt  }
0x69: {  	_ =	shalt  }
0x6a: {  	_ =	shalt  }
0x6b: {  	_ =	shalt  }
0x6c: {  	_ =	shalt  }
0x6d: {  	_ =	shalt  }
0x6e: {  	_ =	shalt  }
0x6f: {  	_ =	shalt  }
0x70: {  	_ =	shalt  }
0x71: {  	_ =	shalt  }
0x72: {  	_ =	shalt  }
0x73: {  	_ =	shalt  }
0x74: {  	_ =	shalt  }
0x75: {  	_ =	shalt  }
0x76: {  	_ =	shalt  }
0x77: {  	_ =	shalt  }
0x78: {  	_ =	shalt  }
0x79: {  	_ =	shalt  }
0x7a: {  	_ =	shalt  }
0x7b: {  	_ =	shalt  }
0x7c: {  	_ =	shalt  }
0x7d: {  	_ =	shalt  }
0x7e: {  	_ =	shalt  }
0x7f: {  	_ =	shalt  }
0x80: {  	_ =	shalt  }
0x81: {  	_ =	shalt  }
0x82: {  	_ =	shalt  }
0x83: {  	_ =	shalt  }
0x84: {  	_ =	shalt  }
0x85: {  	_ =	shalt  }
0x86: {  	_ =	shalt  }
0x87: {  	_ =	shalt  }
.Lfunc_end0:
.L_simem_size_0:
called_computation_lowered:
.L_overlay_start_0:
0x88: {  	s0 =	sld [smem:$0x3FD9]  }
0x89: {  	s1 =	sld [smem:$0x3FFE];
	_ =	sdelay $0x3  }
0x8a: {  	s0 =	sadd.s32 s1, s0  }
0x8b: {  	[smem:$0x3FC3] =	sst s0  }
0x8c: {  	_ = 	snop  }
0x8d: {  	s0 =	sld [smem:$0x3FC9]  }
0x8e: {  	s16 =	sld [smem:$0x3FC8]  }
0x8f: {  	s2 =	sld [smem:$0x3FC7]  }
0x90: {  	s3 =	sld [smem:$0x3FC6]  }
0x91: {  	s4 =	sld [smem:$0x3FC5];
	(tm) =	ssettm $0x1  }
0x92: {  	s5 =	sld [smem:$0x3FFB];
	_ =	sdelay $0x3  }
0x93: {  	_ =	strace s5  }
0x94: {  	s5 =	sld [smem:$0x3FFC];
	_ =	sdelay $0x3  }
0x95: {  	_ =	strace s5  }
0x96: {  	s5 =	sld [smem:$0x3FFD];
	_ =	sdelay $0x3  }
0x97: {  	_ =	strace s5  }
0x98: {  	_ =	strace $0x8FFFFFFF  }
0x99: {  	s17 =	sld [smem:$0x3FDB];
	_ =	sdelay $0x1  }
0x9a: {  	s6 =	simm.s32 $_scs_section_size  }
0x9b: {  	s7 =	simm.s32 $_size__tile_overlayer_lowered;
	s8 =	simm.s32 $_tile_overlayer_lowered  }
0x9c: {  	s20 =	simm.s32 $0x1BFF;
	s19 =	sshll.u32 s8, $0x1;
	s5 =	sadd.s32 s6, s17  }
0x9d: {  	s9 =	simm.s32 $0x0;
	s18 =	sshll.u32 s7, $0x1;
	s7 =	sadd.s32 s19, s5  }
0x9e: {  	[timem:s9], [sflag:s20] =	dma.local [hbm:s7], s18  }
0x9f: {  	_ =	swait.ge [sflag:s20], s18  }
0xa0: {  	s6 =	ssub.s32 $0x0, s18;
	[sflag:s20] =	ssyncset.done $0x0  }
0xa1: {  	[sflag:s20] =	ssyncadd.s32 s6;
	_ =	sdelay $0x1  }
0xa2: {  	s21 =	simm.s32 $0x1B8B  }
0xa3: {  	_ =	swait.ge [sflag:s21], $0x1  }
0xa4: {  	[sflag:s21] =	ssyncset.done $0x0  }
0xa5: {  	s23 =	simm.s32 $0x1B8E;
	s22 =	sld [smem:$0x3FFE];
	[sflag:s21] =	ssyncadd.s32 $0xFFFFFFFF  }
0xa6: {  	s24 =	simm.s32 $execute0_lowered;
	[smem:$0x3FD2] =	sst s23  }
0xa7: {  	s7 =	sshll.u32 s24, $0x1;
	_ =	strace $0x80000046;
	[dreg:$0x1] =	wrdreg $0xFFFFFFFF  }
0xa8: {  	s25 =	simm.s32 $_size_execute0_lowered;
	s5 =	sadd.s32 s5, s7;
	[dreg:$0x0] =	wrdreg $0x0  }
0xa9: {  	s7 =	sshll.u32 s25, $0x1;
	[dreg:$0x2] =	wrdreg s5  }
0xaa: {  	[dreg:$0x3] =	wrdreg s7  }
0xab: {  	[dreg:$0x4] =	wrdreg $0xC0  }
0xac: {  	_ =	task [dreg:s9], $0x5FFFF  }
0xad: {  	[dreg:$0x1] =	wrdreg $0xFFFFFFFF  }
0xae: {  	[dreg:$0x0] =	wrdreg $0x60  }
0xaf: {  	[dreg:$0x2] =	wrdreg s0  }
0xb0: {  	[dreg:$0x3] =	wrdreg s16  }
0xb1: {  	[dreg:$0x4] =	wrdreg s3  }
0xb2: {  	[dreg:$0x5] =	wrdreg s2  }
0xb3: {  	[dreg:$0x6] =	wrdreg s4  }
0xb4: {  	[dreg:$0x7] =	wrdreg s22  }
0xb5: {  	[dreg:$0x8] =	wrdreg $0x9  }
0xb6: {  	_ =	task.clear_ibuf [dreg:s9], $0x9FFFF;
	_ =	strace $0x90000046  }
0xb7: {  	s26 =	simm.s32 $0x9;
	_ =	strace $0x80000048  }
0xb8: {  	_ =	swait.ge [sflag:s26], $0x1  }
0xb9: {  	[sflag:s26] =	ssyncadd.s32 $0xFFFFFFFF  }
0xba: {  	_ =	strace $0x90000048  }
0xbb: {  	_ =	sfence  }
0xbc: {  	s28 =	sld [smem:$0x0];
	_ =	sdelay $0x1  }
0xbd: {  	s29 =	srdreg.scid  }
0xbe: {  	s30 =	sshll.u32 s29, $0xD;
	s31 =	sshrl.u32 s29, $0x2  }
0xbf: {  	s1 =	sand.u32 $0x1, s29;
	s2 =	sand.u32 $0x4000, s30;
	s0 =	sadd.s32 s31, s28  }
0xc0: {  	s1 =	sor.u32 s2, s1;
	s0 =	sshll.u32 s0, $0x11  }
0xc1: {  	s0 =	sor.u32 s0, s1  }
0xc2: {  	s0 =	sadd.s32 $0x8F2B, s0  }
0xc3: {  	[sflag:s0] =	ssyncadd.remote.s32 $0x1  }
0xc4: {  	_ =	sfence.sel $0xFFFF  }
0xc5: {  	[dreg:$0x0] =	wrdreg $0xFFFFFFFF;
	(pc) =	sbr.abs _section_cstart, $3  }
0xc6: {  	[dreg:$0x1] =	wrdreg $0xFFFFFFFF  }
0xc7: {  	_ =	task.clear_ibuf [dreg:s9], $0x2FFFF;
	_ =	strace $0x9FFFFFFF  }
0xc8: {  	(tm) =	ssettm $0x7FFFFFFF  }
0xc9: {  	_ =	shalt  }
tec
execute0_lowered:
.L_overlay_start_1:
0x0: {  	(tag) =	ssettag $0x1  }
0x1: {  	s6 =	rddreg [dreg:$0x0]  }
0x2: {  	s4 =	rddreg [dreg:$0x1]  }
0x3: {  	s3 =	rddreg [dreg:$0x2]  }
0x4: {  	s5 =	rddreg [dreg:$0x3]  }
0x5: {  	s7 =	rddreg [dreg:$0x4]  }
0x6: {  	s2 =	rddreg [dreg:$0x5];
	s1 =	simm.s32 $0x0  }
0x7: {  	[smem:$0x7FF] =	sst s1  }
0x8: {  	s0 =	rddreg [dreg:$0x6];
	_ =	strace $0x80000047  }
0x9: {  	[tilespmem:s1], [sflag:$0x1] =	stream.linear.gather [hbm4b:s3+s1], $0x14, $0x38;
	[tilespmem:$0x6180] =	vst v63  }
0xa: {  	s16 =	simm.s32 $0x20  }
0xb: {  	[tilespmem:s16], [sflag:$0x1] =	stream.linear.gather [hbm4b:s5+s1], $0x1, $0x38;
	[tilespmem:$0x6180] =	vst v63  }
0xc: {  	s17 =	simm.s32 $0x80  }
0xd: {  	[tilespmem:s17], [sflag:$0x1] =	stream.linear.gather [hbm4b:s7+s1], $0x14, $0x38;
	[tilespmem:$0x6180] =	vst v63  }
0xe: {  	s7 =	simm.s32 $0x1  }
0xf: {  	_ =	swait.ge [sflag:s7], $0x14  }
0x10: {  	[sflag:s7] =	ssyncset.done $0x0  }
0x11: {  	[sflag:s7] =	ssyncadd.s32 $0xFFFFFFEC  }
0x12: {  	_ =	swait.ge [sflag:s7], $0x1  }
0x13: {  	[sflag:s7] =	ssyncset.done $0x0  }
0x14: {  	[sflag:s7] =	ssyncadd.s32 $0xFFFFFFFF  }
0x15: {  	_ =	swait.ge [sflag:s7], $0x14  }
0x16: {  	[sflag:s7] =	ssyncset.done $0x0  }
0x17: {  	[sflag:s7] =	ssyncadd.s32 $0xFFFFFFEC  }
0x18: {  	v0 =	vld [tilespmem:$0x0]  }
0x19: {  	v1 =	vld [tilespmem:$0x80]  }
0x1a: {  	s18 =	stileid.u32;
	v2 =	vld [tilespmem:$0x90]  }
0x1b: {  	v4 =	vlaneseq.u32;
	v3 =	vmov s18;
	v5 =	vld [tilespmem:$0x20]  }
0x1c: {  	vm1 =	veq.s32 v3, v4  }
0x1d: {  	v0 =	vnsel vm1, $0x0, v0  }
0x1e: {  	v41 =	vnsel vm1, $0x0, v1;
	(xrf0) =	vadd.scan.msk.s32 $0xffff, v0  }
0x1f: {  	vm0 =	vmmov $0x1;
	v42 =	vnsel vm1, $0x0, v2;
	(xrf0) =	vadd.scan.msk.s32 $0xffff, v41  }
0x20: {  	v43 =	vnsel vm0, $0x0, v5;
	(xrf0) =	vadd.scan.msk.s32 $0xffff, v42  }
0x21: {  	(xrf0) =	vadd.scan.msk.s32 $0xffff, v43;
	_ =	sdelay $0x2  }
0x22: {  	v44, _, _ =	vpop (xrf0)  }
0x23: {  	v45, _, _ =	vpop (xrf0)  }
0x24: {  	v46, _, _ =	vpop (xrf0)  }
0x25: {  	(v2sf) =	vpush v44, $0xF;
	v47, _, _ =	vpop (xrf0)  }
0x26: {  	(v2sf) =	vpush v47, $0xF  }
0x27: {  	v2 =	vld [tilespmem:$0x10];
	_ =	sdelay $0x1  }
0x28: {  	p0 =	sgt.u32 s18, $0x3  }
0x29: {  	v5 =	vlaneseq.u32 @!p0  }
0x2a: {  	vm1 =	veq.s32 @!p0 v3, v5  }
0x2b: {  	v2 =	vnsel @!p0 vm1, $0x0, v2  }
0x2c: {  	(xrf0) =	vadd.scan.msk.s32 @!p0 $0xffff, v2;
	_ =	sdelay $0x5  }
0x2d: {  	v2, _, _ =	vpop @!p0 (xrf0)  }
0x2e: {  	s20 =	simm.s32 $0x400;
	s9 =	spop (v2sf);
	(v2sf) =	vpush @!p0 v2, $0xF  }
0x2f: {  	s22 =	sand.u32 $0x7F, s9;
	s12 =	sshra.s32 s9, $0x1F;
	s8 =	spop (v2sf)  }
0x30: {  	p5 =	slt.s32 s9, $0x1;
	p6 =	sne.s32 s22, $0x0;
	s19 =	sand.u32 $0x7F, s8  }
0x31: {  	s10 =	sshra.s32 s8, $0x1F;
	p1 =	slt.s32 s8, $0x1;
	p2 =	sne.s32 s19, $0x0  }
0x32: {  	s12 =	sshrl.u32 s12, $0x19;
	s10 =	sshrl.u32 s10, $0x19;
	p1 =	por !p1, !p2  }
0x33: {  	s8 =	sadd.s32 s10, s8;
	s10 =	simm.s32 $0x1;
	p1 =	por !p1, !p1  }
0x34: {  	s8 =	sshrl.u32 s8, $0x7;
	s10 =	simm.s32 @!p1 $0x0;
	p1 =	por !p5, !p6  }
0x35: {  	s9 =	sadd.s32 s12, s9;
	s8 =	ssub.s32 s8, s10;
	p1 =	por !p1, !p1  }
0x36: {  	s9 =	sshrl.u32 s9, $0x7;
	s8 =	sshll.u32 s8, $0x7;
	s7 =	simm.s32 @!p1 $0x0  }
0x37: {  	s11 =	simm.s32 $0x7A1400;
	s8 =	sand.u32 $0x1FFFFF80, s8;
	s7 =	ssub.s32 s9, s7  }
0x38: {  	s21 =	simm.s32 $0x100;
	s6 =	sadd.s32 s6, s8;
	s7 =	sshll.u32 s7, $0x7  }
0x39: {  	[tilespmem:s21], [sflag:$0x3] =	stream.strided.gather [hbm4b:s6+s20], $0x2000, s11, s20, $0x38;
	[tilespmem:$0x6180] =	vst v63  }
0x3a: {  	s7 =	sand.u32 $0x1FFFFF80, s7  }
0x3b: {  	s24 =	simm.s32 $0x2100;
	s23 =	sadd.s32 s4, s7  }
0x3c: {  	[tilespmem:s24], [sflag:$0x2] =	stream.strided.gather [hbm4b:s23+s20], $0x2000, s11, s20, $0x38;
	[tilespmem:$0x6180] =	vst v63  }
0x3d: {  	s9 =	spop @!p0 (v2sf)  }
0x3e: {  	s10 =	sand.u32 @!p0 $0x7F, s9  }
0x3f: {  	p1 =	slt.s32 @!p0 s9, $0x1;
	p2 =	sne.s32 @!p0 s10, $0x0  }
0x40: {  	s11 =	sshra.s32 @!p0 s9, $0x1F;
	p1 =	por @!p0 !p1, !p2  }
0x41: {  	s11 =	sshrl.u32 @!p0 s11, $0x19;
	p1 =	por @!p0 !p1, !p1  }
0x42: {  	s9 =	sadd.s32 @!p0 s11, s9;
	s11 =	simm.s32 @!p0 $0x1;
	p1 =	por !p1, p0  }
0x43: {  	s9 =	sshrl.u32 @!p0 s9, $0x7;
	s11 =	simm.s32 @p1 $0x0  }
0x44: {  	s9 =	ssub.s32 @!p0 s9, s11  }
0x45: {  	s9 =	sshll.u32 @!p0 s9, $0x7  }
0x46: {  	s12 =	simm.s32 @!p0 $0x4100;
	s9 =	sand.u32 @!p0 $0x1FFFFF80, s9  }
0x47: {  	s11 =	simm.s32 @!p0 $0x7A1400;
	s4 =	sadd.s32 @!p0 s4, s9;
	s9 =	simm.s32 @!p0 $0x400  }
0x48: {  	[tilespmem:s12], [sflag:$0x2] =	stream.strided.gather @!p0 [hbm4b:s4+s9], $0x2000, s11, s9, $0x38;
	[tilespmem:$0x6180] =	vst v63  }
0x49: {  	s4 =	simm.s32 @!p0 $0x2  }
0x4a: {  	_ =	swait.ge @!p0 [sflag:s4], $0x2000  }
0x4b: {  	[sflag:s4] =	ssyncset.done @!p0 $0x0  }
0x4c: {  	s25 =	simm.s32 $0x3;
	v48 =	vmul.u32 $0x80, v4;
	[sflag:s4] =	ssyncadd.s32 @!p0 $0xFFFFE000  }
0x4d: {  	_ =	swait.ge [sflag:s25], $0x2000  }
0x4e: {  	v4 =	vor.u32 $0x800, v48;
	v49 =	vor.u32 s19, v48;
	[sflag:s25] =	ssyncset.done $0x0  }
0x4f: {  	s26 =	simm.s32 $0x2;
	v6 =	vor.u32 $0x1000, v48;
	v50 =	vor.u32 s19, v4;
	[sflag:s25] =	ssyncadd.s32 $0xFFFFE000  }
0x50: {  	v8 =	vor.u32 $0x1800, v48;
	v7 =	vor.u32 s19, v6;
	_ =	swait.ge [sflag:s26], $0x2000  }
0x51: {  	v9 =	vor.u32 s19, v8;
	[sflag:s26] =	ssyncset.done $0x0  }
0x52: {  	v10 =	vor.u32 s22, v48;
	[sflag:s26] =	ssyncadd.s32 $0xFFFFE000  }
0x53: {  	v11 =	vor.u32 s22, v4;
	s10 =	simm.s32 @p0 $0x0;
	v3 =	vld.idx.msk [tilespmem:v49+s21+$0x0], $0xffff  }
0x54: {  	v2 =	vor.u32 s10, v48;
	v5 =	vld.idx.msk [tilespmem:v50+s21+$0x0], $0xffff  }
0x55: {  	v4 =	vor.u32 s10, v4;
	v7 =	vld.idx.msk [tilespmem:v7+s21+$0x0], $0xffff  }
0x56: {  	v12 =	vor.u32 s22, v6;
	v9 =	vld.idx.msk [tilespmem:v9+s21+$0x0], $0xffff  }
0x57: {  	v6 =	vor.u32 s10, v6;
	v10 =	vld.idx.msk [tilespmem:v10+s24+$0x0], $0xffff  }
0x58: {  	s28 =	simm.s32 $0x4100;
	v13 =	vor.u32 s22, v8;
	v11 =	vld.idx.msk [tilespmem:v11+s24+$0x0], $0xffff  }
0x59: {  	v8 =	vor.u32 s10, v8;
	v2 =	vld.idx.msk [tilespmem:v2+s28+$0x0], $0xffff  }
0x5a: {  	v4 =	vld.idx.msk [tilespmem:v4+s28+$0x0], $0xffff  }
0x5b: {  	v12 =	vld.idx.msk [tilespmem:v12+s24+$0x0], $0xffff  }
0x5c: {  	v6 =	vld.idx.msk [tilespmem:v6+s28+$0x0], $0xffff  }
0x5d: {  	v13 =	vld.idx.msk [tilespmem:v13+s24+$0x0], $0xffff  }
0x5e: {  	v8 =	vld.idx.msk [tilespmem:v8+s28+$0x0], $0xffff;
	v10 =	vmul.f32 v10, v3;
	v11 =	vmul.f32 v11, v5  }
0x5f: {  	v2 =	vmul.f32 v2, v3;
	v51 =	vmul.f32 v4, v5  }
0x60: {  	v53 =	vmul.f32 v12, v7;
	v52 =	vadd.f32 v11, v10  }
0x61: {  	v54 =	vmul.f32 v6, v7;
	v2 =	vadd.f32 v51, v2  }
0x62: {  	v55 =	vmul.f32 v13, v9;
	v4 =	vadd.f32 v53, v52  }
0x63: {  	v56 =	vmul.f32 v8, v9;
	v2 =	vadd.f32 v54, v2  }
0x64: {  	v4 =	vadd.f32 v55, v4  }
0x65: {  	v2 =	vadd.f32 v56, v2  }
0x66: {  	(xrf2) =	vadd.scan.msk.f32 $0xffff, v4  }
0x67: {  	(xrf2) =	vadd.scan.msk.f32 $0xffff, v2;
	_ =	sdelay $0x8  }
0x68: {  	v57, _, _ =	vpop (xrf2)  }
0x69: {  	v58, _, _ =	vpop (xrf2)  }
0x6a: {  	v3 =	vbroadcast v58, $0xF  }
0x6b: {  	vm13 =	vcmask $0x704;
	vm2 =	vcmask $0x3F04;
	v2 =	vbroadcast v57, $0xF  }
0x6c: {  	v0 =	vbroadcast v45, $0xF;
	v1 =	vbroadcast v46, $0xF;
	v3 =	vnsel vm13, $0x0, v3  }
0x6d: {  	v2 =	vsel vm2, v3, v2  }
0x6e: {  	v0 =	vsel vm0, v0, v1;
	v59 =	vsub.f32 $0.0e+00, v2  }
0x6f: {  	vm14 =	veq.s32 v0, $0x1  }
0x70: {  	v0 =	vsel vm14, v2, v59  }
0x71: {  	v0 =	vsub.f32 $0.0e+00, v0;
	_ =	sdelay $0x1  }
0x72: {  	v0 =	vmul.f32 $1.442695020e+00, v0;
	_ =	sdelay $0x1  }
0x73: {  	(erf) = vpow2.f32 v0;
	_ =	sdelay $0x8  }
0x74: {  	v0 =	vpop (erf)  }
0x75: {  	v0 =	vadd.f32 $1.000000000e+00, v0;
	_ =	sdelay $0x1  }
0x76: {  	(erf) = vrcp.f32 v0;
	_ =	sdelay $0x8  }
0x77: {  	v0 =	vpop (erf)  }
0x78: {  	v0 =	vadd.f32 $9.999999710e-10, v0;
	_ =	sdelay $0x1  }
0x79: {  	v60 =	vand.u32 $0x7FFFFF, v0  }
0x7a: {  	v1 =	vor.u32 $0x3F800000, v60  }
0x7b: {  	v61 =	vmul.f32 $5.000000000e-01, v1  }
0x7c: {  	vm15 =	vgt.f32 v1, $1.414213540e+00  }
0x7d: {  	v1 =	vsel vm15, v61, v1  }
0x7e: {  	v2 =	vadd.f32 $1.000000000e+00, v1;
	_ =	sdelay $0x1  }
0x7f: {  	(erf) = vrcp.f32 v2;
	_ =	sdelay $0x7  }
0x80: {  	v1 =	vadd.f32 $-1.000000000e+00, v1  }
0x81: {  	v2 =	vpop (erf)  }
0x82: {  	v1 =	vmul.f32 v2, v1;
	_ =	sdelay $0x1  }
0x83: {  	v2 =	vmul.f32 v1, v1;
	_ =	sdelay $0x1  }
0x84: {  	v62 =	vmul.f32 $1.111111120e-01, v2;
	_ =	sdelay $0x1  }
0x85: {  	v3 =	vadd.f32 $1.428571490e-01, v62;
	_ =	sdelay $0x1  }
0x86: {  	v3 =	vmul.f32 v3, v2;
	_ =	sdelay $0x1  }
0x87: {  	v3 =	vadd.f32 $2.000000030e-01, v3;
	_ =	sdelay $0x1  }
0x88: {  	v3 =	vmul.f32 v3, v2  }
0x89: {  	v0 =	vshra.s32 v0, $0x17  }
0x8a: {  	v0 =	vadd.s32 $0xFFFFFF81, v0;
	v3 =	vadd.f32 $3.333333430e-01, v3  }
0x8b: {  	v63 =	vimm.f32 $0.0e+00;
	v0 =	vcvt.s32.f32 v0  }
0x8c: {  	v4 =	vsel vm15, $0x3F800000, v63;
	v2 =	vmul.f32 v3, v2  }
0x8d: {  	v0 =	vadd.f32 v0, v4  }
0x8e: {  	v1 =	vadd.f32 v1, v1;
	v2 =	vadd.f32 $1.000000000e+00, v2;
	_ =	sdelay $0x1  }
0x8f: {  	v0 =	vmul.f32 $6.931471820e-01, v0;
	v1 =	vmul.f32 v2, v1;
	_ =	sdelay $0x1  }
0x90: {  	p0 =	slt.u32 s18, $0x4;
	vm2 =	vmxor vm15, vm15;
	v0 =	vadd.f32 v1, v0  }
0x91: {  	vm2 =	vmneg @p0 vm2  }
0x92: {  	vm1 =	vmand vm2, vm13;
	v0 =	vsub.f32 $0.0e+00, v0  }
0x93: {  	vm0 =	vmor vm1, vm0  }
0x94: {  	s29 =	sshll.u32 s18, $0x4;
	v0 =	vnsel vm0, $0x0, v0  }
0x95: {  	s30 =	simm.s32 $0x6100;
	s31 =	simm.s32 $0x4;
	s2 =	sadd.s32 s2, s29;
	[tilespmem:$0x6100] =	vst v0  }
0x96: {  	[hbm4b:s2+s1] =	stream.linear.scatter [tilespmem:s30], [sflag:$0x4], $0x80, $0x38;
	[tilespmem:$0x6180] =	vst v63  }
0x97: {  	_ =	swait.ge [sflag:s31], $0x80  }
0x98: {  	[sflag:s31] =	ssyncset.done $0x0  }
0x99: {  	[sflag:s31] =	ssyncadd.s32 $0xFFFFFF80  }
0x9a: {  	_ =	sfence.sel $0x180000  }
0x9b: {  	[bflag:$0x0] =	sbarrier.arrive $0xFFFF  }
0x9c: {  	p0 =	sne.s32 s18, $0x0;
	_ =	strace $0x90000047  }
0x9d: {  	s0 =	sadd.s32 @!p0 $0x100000, s0;
	[bflag:$0x2] =	sbarrier.arrive $0xFFFF  }
0x9e: {  	[sflag:s0] =	ssyncadd.tile.s32 @!p0 $0x1;
	_ =	shalt  }
.Lfunc_end2:
_tile_overlayer_lowered:
.L_overlay_start_2:
0x9f: {  	(tag) =	ssettag $0x2  }
0xa0: {  	s0 =	rddreg [dreg:$0x0];
	s2 =	stileid.u32  }
0xa1: {  	s1 =	rddreg [dreg:$0x1];
	p0 =	sne.s32 s2, $0x0  }
0xa2: {  	s3 =	rddreg [dreg:$0x2];
	[bflag:$0x3] =	sbarrier.arrive $0xFFFF;
	s2 =	simm.s32 @!p0 $0x1C04  }
0xa3: {  	[timem:s3], [sflag:s2] =	dma.local @!p0 [hbm:s0], s1  }
0xa4: {  	s0 =	simm.s32 @!p0 $0x4  }
0xa5: {  	_ =	swait.ge @!p0 [sflag:s0], s1  }
0xa6: {  	s1 =	ssub.s32 @!p0 $0x0, s1;
	[sflag:s0] =	ssyncset.done @!p0 $0x0  }
0xa7: {  	[sflag:s0] =	ssyncadd.s32 @!p0 s1  }
0xa8: {  	[bflag:$0x3] =	sbarrier.arrive $0xFFFF  }
0xa9: {  	_ =	shalt  }

</sc_bundles>
